<compile_context>
chip_gen: v7x
topology: tpu7x:2x2x1
jax: 0.10.2.dev20260603
libtpu: 0.0.44.dev20260713+nightly
codegen_flags: <defaults>
</compile_context>

<pallas_src>
import functools

import jax
import jax.numpy as jnp
from jax import lax
from jax.experimental import pallas as pl
from jax.experimental.pallas import tpu as pltpu
from jax.experimental.pallas import tpu_sc as plsc

SEQ_LEN = 8192
D_MODEL = 768
BATCH = 4

NB = BATCH * SEQ_LEN
NC = 2
NS = 16
NW = NC * NS
BPW = NB // NW
CH = 64
NCHUNK = BPW // CH

_mesh = plsc.VectorSubcoreMesh(core_axis_name="c", subcore_axis_name="s")


@functools.partial(
    pl.kernel,
    out_type=jax.ShapeDtypeStruct((BATCH, SEQ_LEN, D_MODEL), jnp.float32),
    mesh=_mesh,
    scratch_types=[
        pltpu.VMEM((BPW,), jnp.int32),
        pltpu.VMEM((CH, D_MODEL), jnp.float32),
        pltpu.VMEM((CH, D_MODEL), jnp.float32),
        pltpu.SemaphoreType.DMA,
        pltpu.SemaphoreType.DMA,
    ],
)
def _emb_lookup(idx_hbm, table_hbm, out_hbm, idx_v, buf0, buf1, sem0, sem1):
    wid = lax.axis_index("s") * NC + lax.axis_index("c")
    b = wid * BPW // SEQ_LEN
    s0 = wid * BPW % SEQ_LEN
    pltpu.sync_copy(idx_hbm.at[b, pl.ds(s0, BPW)], idx_v)

    bufs = (buf0, buf1)
    sems = (sem0, sem1)

    def gather(g, j):
        off = pl.multiple_of(g * CH, CH)
        pltpu.async_copy(
            table_hbm.at[idx_v.at[pl.ds(off, CH)]], bufs[j], sems[j])

    def drain_and_store(g, j):
        pltpu.make_async_copy(table_hbm.at[pl.ds(0, CH)], bufs[j], sems[j]).wait()
        off = pl.multiple_of(g * CH, CH)
        pltpu.sync_copy(bufs[j], out_hbm.at[b, pl.ds(s0 + off, CH)])

    gather(0, 0)

    @pl.loop(0, NCHUNK, step=2)
    def _pair(g):
        gather(g + 1, 1)
        drain_and_store(g, 0)

        @pl.when(g + 2 < NCHUNK)
        def _():
            gather(g + 2, 0)

        drain_and_store(g + 1, 1)


def kernel(x, table):
    return _emb_lookup(x.astype(jnp.int32), table)

# --- scband reference (transcript-rebuilt; emitter-appended) ---
"""Pipeline reference for scband-positional-embedding-69535520522245 (READ-ONLY COPY).

The authoritative reference and input builder live on the scoring server;
editing this copy changes nothing except your own understanding.
"""

import jax, jax.numpy as jnp
import numpy as np

SEQ_LEN = 8192
D_MODEL = 768
BATCH = 4

def setup_inputs(seed: int = 0) -> dict:
    key = jax.random.key(seed)
    k_idx, k_tab = jax.random.split(key)
    x = jax.random.randint(k_idx, (BATCH, SEQ_LEN), 0, SEQ_LEN, dtype=jnp.int64 if jax.config.jax_enable_x64 else jnp.int32)
    # nn.Embedding default init: N(0, 1)
    table = jax.random.normal(k_tab, (SEQ_LEN, D_MODEL), dtype=jnp.float32)
    return {"x": x, "table": table}

def reference(x, table):
    # Positional_Embedding.forward: embedding lookup then dropout (p=0.0 -> identity / eval mode)
    out = jnp.take(table, x, axis=0)
    return out

if __name__ == "__main__":
    import jax
    _d = setup_inputs()
    print(jax.jit(kernel)(*tuple(_d.values())))

</pallas_src>

<mosaic_0001>
#map = affine_map<(d0, d1) -> (0, 0)>
#map1 = affine_map<(d0, d1) -> (0, 0, 0)>
module attributes {stable_mosaic.version = 14 : i64} {
  func.func @_emb_lookup(%arg0: i32, %arg1: i32, %arg2: memref<4x8192xi32, #tpu.memory_space<hbm>>, %arg3: memref<8192x768xf32, #tpu.memory_space<hbm>>, %arg4: memref<4x8192x768xf32, #tpu.memory_space<hbm>>, %arg5: memref<1024xi32, #tpu.memory_space<vmem>>, %arg6: memref<64x768xf32, #tpu.memory_space<vmem>>, %arg7: memref<64x768xf32, #tpu.memory_space<vmem>>, %arg8: memref<!tpu.dma_semaphore, #tpu.memory_space<semaphore_mem>>, %arg9: memref<!tpu.dma_semaphore, #tpu.memory_space<semaphore_mem>>) attributes {dimension_semantics = [#tpu.dimension_semantics<core_parallel>, #tpu.dimension_semantics<subcore_parallel>], iteration_bounds = array<i64: 2, 16>, scalar_prefetch = 0 : i64, scratch_operands = 5 : i64, tpu.core_type = #tpu.core_type<sc_vector_subcore>, window_params = [{transform_indices = #map}, {transform_indices = #map}, {transform_indices = #map1}]} {
    %mul3A = arith.constant 2 : i32
    %mul3A_0 = arith.muli %arg1, %mul3A : i32
    %add3A = arith.addi %mul3A_0, %arg0 : i32
    %mul3A_1 = arith.constant 1024 : i32
    %mul3A_2 = arith.muli %add3A, %mul3A_1 : i32
    %jit3A = arith.constant 8192 : i32
    %div3A = arith.divsi %mul3A_2, %jit3A : i32
    %sign3A = arith.constant 0 : i32
    %sign3A_3 = arith.cmpi sgt, %mul3A_2, %sign3A : i32
    %sign3A_4 = arith.extui %sign3A_3 : i1 to i32
    %sign3A_5 = arith.constant 0 : i32
    %sign3A_6 = arith.cmpi slt, %mul3A_2, %sign3A_5 : i32
    %sign3A_7 = arith.extui %sign3A_6 : i1 to i32
    %sign3A_8 = arith.subi %sign3A_4, %sign3A_7 : i32
    %sign3A_9 = arith.constant 0 : i32
    %sign3A_10 = arith.cmpi sgt, %jit3A, %sign3A_9 : i32
    %sign3A_11 = arith.extui %sign3A_10 : i1 to i32
    %sign3A_12 = arith.constant 0 : i32
    %sign3A_13 = arith.cmpi slt, %jit3A, %sign3A_12 : i32
    %sign3A_14 = arith.extui %sign3A_13 : i1 to i32
    %sign3A_15 = arith.subi %sign3A_11, %sign3A_14 : i32
    %ne3A = arith.cmpi ne, %sign3A_8, %sign3A_15 : i32
    %rem3A = arith.remsi %mul3A_2, %jit3A : i32
    %ne3A_16 = arith.constant 0 : i32
    %ne3A_17 = arith.cmpi ne, %rem3A, %ne3A_16 : i32
    %and3A = arith.andi %ne3A, %ne3A_17 : i1
    %sub3A = arith.constant 1 : i32
    %sub3A_18 = arith.subi %div3A, %sub3A : i32
    %select_n3A = arith.select %and3A, %sub3A_18, %div3A : i32
    %mul3A_19 = arith.constant 1024 : i32
    %mul3A_20 = arith.muli %add3A, %mul3A_19 : i32
    %jit3A_21 = arith.constant 8192 : i32
    %eq3A = arith.constant 0 : i32
    %eq3A_22 = arith.cmpi eq, %jit3A_21, %eq3A : i32
    %jit3A_23 = arith.constant 1 : i32
    %select_n3A_24 = arith.select %eq3A_22, %jit3A_23, %jit3A_21 : i32
    %rem3A_25 = arith.remsi %mul3A_20, %select_n3A_24 : i32
    %ne3A_26 = arith.constant 0 : i32
    %ne3A_27 = arith.cmpi ne, %rem3A_25, %ne3A_26 : i32
    %lt3A = arith.constant 0 : i32
    %lt3A_28 = arith.cmpi slt, %rem3A_25, %lt3A : i32
    %lt3A_29 = arith.constant 0 : i32
    %lt3A_30 = arith.cmpi slt, %select_n3A_24, %lt3A_29 : i32
    %ne3A_31 = arith.xori %lt3A_28, %lt3A_30 : i1
    %and3A_32 = arith.andi %ne3A_31, %ne3A_27 : i1
    %add3A_33 = arith.addi %rem3A_25, %select_n3A_24 : i32
    %select_n3A_34 = arith.select %and3A_32, %add3A_33, %rem3A_25 : i32
    "tpu.region"() ({
      %run_scoped3A = tpu.sem_alloc : memref<!tpu.dma_semaphore, #tpu.memory_space<semaphore_mem>>
      %dma_start3A_43 = tpu.memref_slice %arg2[%select_n3A, %select_n3A_34] : memref<4x8192xi32, #tpu.memory_space<hbm>> -> memref<1x1024xi32, #tpu.memory_space<hbm>>
      %dma_start3A_44 = tpu.memref_squeeze %dma_start3A_43 : memref<1x1024xi32, #tpu.memory_space<hbm>> -> memref<1024xi32, #tpu.memory_space<hbm>>
      %dma_start3A_45 = tpu.memref_slice %arg2[%select_n3A, %select_n3A_34] : memref<4x8192xi32, #tpu.memory_space<hbm>> -> memref<1x1024xi32, #tpu.memory_space<hbm>>
      %dma_start3A_46 = tpu.memref_squeeze %dma_start3A_45 : memref<1x1024xi32, #tpu.memory_space<hbm>> -> memref<1024xi32, #tpu.memory_space<hbm>>
      tpu.enqueue_dma source(%dma_start3A_46 : memref<1024xi32, #tpu.memory_space<hbm>>) target(%arg5 : memref<1024xi32, #tpu.memory_space<vmem>>) target_semaphore(%run_scoped3A : memref<!tpu.dma_semaphore, #tpu.memory_space<semaphore_mem>>)
      %dma_wait3A = tpu.memref_slice %arg2[%select_n3A, %select_n3A_34] : memref<4x8192xi32, #tpu.memory_space<hbm>> -> memref<1x1024xi32, #tpu.memory_space<hbm>>
      %dma_wait3A_47 = tpu.memref_squeeze %dma_wait3A : memref<1x1024xi32, #tpu.memory_space<hbm>> -> memref<1024xi32, #tpu.memory_space<hbm>>
      %dma_wait3A_48 = tpu.memref_slice %arg2[%select_n3A, %select_n3A_34] : memref<4x8192xi32, #tpu.memory_space<hbm>> -> memref<1x1024xi32, #tpu.memory_space<hbm>>
      %dma_wait3A_49 = tpu.memref_squeeze %dma_wait3A_48 : memref<1x1024xi32, #tpu.memory_space<hbm>> -> memref<1024xi32, #tpu.memory_space<hbm>>
      tpu.wait_dma2 semaphore(%run_scoped3A : memref<!tpu.dma_semaphore, #tpu.memory_space<semaphore_mem>>) src(%dma_wait3A_49 : memref<1024xi32, #tpu.memory_space<hbm>>) dst(%arg5 : memref<1024xi32, #tpu.memory_space<vmem>>)
      tpu.yield
    }) : () -> ()
    %multiple_of3A = arith.constant 0 : i32
    %multiple_of3A_35 = tpu.assume_multiple %multiple_of3A, 64 : i32
    %dma_start3A = tpu.memref_slice %arg5[%multiple_of3A_35] : memref<1024xi32, #tpu.memory_space<vmem>> -> memref<64xi32, #tpu.memory_space<vmem>>
    %dma_start3A_36 = arith.constant 0 : i32
    %dma_start3A_37 = arith.constant 0 : i32
    %dma_start3A_38 = tpu.memref_slice %arg3[%dma_start3A_36, %dma_start3A_37] : memref<8192x768xf32, #tpu.memory_space<hbm>> -> memref<8192x768xf32, #tpu.memory_space<hbm>>
    tpu.enqueue_indirect_dma source(%dma_start3A_38 : memref<8192x768xf32, #tpu.memory_space<hbm>>) target(%arg6 : memref<64x768xf32, #tpu.memory_space<vmem>>) offsets(%dma_start3A : memref<64xi32, #tpu.memory_space<vmem>>) semaphore(%arg8 : memref<!tpu.dma_semaphore, #tpu.memory_space<semaphore_mem>>)
    %scan3A = arith.constant 0 : i32
    %scan3A_39 = arith.constant 8 : i32
    %scan3A_40 = arith.addi %scan3A, %scan3A_39 : i32
    %scan3A_41 = arith.constant 1 : i32
    scf.for %scan3A_43 = %scan3A to %scan3A_40 step %scan3A_41  : i32 {
      %mul3A_44 = arith.constant 2 : i32
      %mul3A_45 = arith.muli %scan3A_43, %mul3A_44 : i32
      %add3A_46 = arith.constant 0 : i32
      %add3A_47 = arith.addi %add3A_46, %mul3A_45 : i32
      %add3A_48 = arith.constant 1 : i32
      %add3A_49 = arith.addi %add3A_47, %add3A_48 : i32
      %mul3A_50 = arith.constant 64 : i32
      %mul3A_51 = arith.muli %add3A_49, %mul3A_50 : i32
      %multiple_of3A_52 = tpu.assume_multiple %mul3A_51, 64 : i32
      %dma_start3A_53 = tpu.memref_slice %arg5[%multiple_of3A_52] : memref<1024xi32, #tpu.memory_space<vmem>> -> memref<64xi32, #tpu.memory_space<vmem>>
      %dma_start3A_54 = arith.constant 0 : i32
      %dma_start3A_55 = arith.constant 0 : i32
      %dma_start3A_56 = tpu.memref_slice %arg3[%dma_start3A_54, %dma_start3A_55] : memref<8192x768xf32, #tpu.memory_space<hbm>> -> memref<8192x768xf32, #tpu.memory_space<hbm>>
      tpu.enqueue_indirect_dma source(%dma_start3A_56 : memref<8192x768xf32, #tpu.memory_space<hbm>>) target(%arg7 : memref<64x768xf32, #tpu.memory_space<vmem>>) offsets(%dma_start3A_53 : memref<64xi32, #tpu.memory_space<vmem>>) semaphore(%arg9 : memref<!tpu.dma_semaphore, #tpu.memory_space<semaphore_mem>>)
      %dma_wait3A = arith.constant 0 : i32
      %dma_wait3A_57 = arith.constant 0 : i32
      %dma_wait3A_58 = tpu.memref_slice %arg3[%dma_wait3A, %dma_wait3A_57] : memref<8192x768xf32, #tpu.memory_space<hbm>> -> memref<64x768xf32, #tpu.memory_space<hbm>>
      %dma_wait3A_59 = arith.constant 0 : i32
      %dma_wait3A_60 = arith.constant 0 : i32
      %dma_wait3A_61 = tpu.memref_slice %arg3[%dma_wait3A_59, %dma_wait3A_60] : memref<8192x768xf32, #tpu.memory_space<hbm>> -> memref<64x768xf32, #tpu.memory_space<hbm>>
      tpu.wait_dma2 semaphore(%arg8 : memref<!tpu.dma_semaphore, #tpu.memory_space<semaphore_mem>>) src(%dma_wait3A_61 : memref<64x768xf32, #tpu.memory_space<hbm>>) dst(%arg6 : memref<64x768xf32, #tpu.memory_space<vmem>>)
      %mul3A_62 = arith.constant 64 : i32
      %mul3A_63 = arith.muli %add3A_47, %mul3A_62 : i32
      %multiple_of3A_64 = tpu.assume_multiple %mul3A_63, 64 : i32
      %add3A_65 = arith.addi %select_n3A_34, %multiple_of3A_64 : i32
      "tpu.region"() ({
        %run_scoped3A = tpu.sem_alloc : memref<!tpu.dma_semaphore, #tpu.memory_space<semaphore_mem>>
        %dma_start3A_83 = arith.constant 0 : i32
        %dma_start3A_84 = tpu.memref_slice %arg4[%select_n3A, %add3A_65, %dma_start3A_83] : memref<4x8192x768xf32, #tpu.memory_space<hbm>> -> memref<1x64x768xf32, #tpu.memory_space<hbm>>
        %dma_start3A_85 = tpu.memref_squeeze %dma_start3A_84 : memref<1x64x768xf32, #tpu.memory_space<hbm>> -> memref<64x768xf32, #tpu.memory_space<hbm>>
        %dma_start3A_86 = arith.constant 0 : i32
        %dma_start3A_87 = tpu.memref_slice %arg4[%select_n3A, %add3A_65, %dma_start3A_86] : memref<4x8192x768xf32, #tpu.memory_space<hbm>> -> memref<1x64x768xf32, #tpu.memory_space<hbm>>
        %dma_start3A_88 = tpu.memref_squeeze %dma_start3A_87 : memref<1x64x768xf32, #tpu.memory_space<hbm>> -> memref<64x768xf32, #tpu.memory_space<hbm>>
        tpu.enqueue_dma source(%arg6 : memref<64x768xf32, #tpu.memory_space<vmem>>) target(%dma_start3A_88 : memref<64x768xf32, #tpu.memory_space<hbm>>) target_semaphore(%run_scoped3A : memref<!tpu.dma_semaphore, #tpu.memory_space<semaphore_mem>>)
        %dma_wait3A_89 = arith.constant 0 : i32
        %dma_wait3A_90 = tpu.memref_slice %arg4[%select_n3A, %add3A_65, %dma_wait3A_89] : memref<4x8192x768xf32, #tpu.memory_space<hbm>> -> memref<1x64x768xf32, #tpu.memory_space<hbm>>
        %dma_wait3A_91 = tpu.memref_squeeze %dma_wait3A_90 : memref<1x64x768xf32, #tpu.memory_space<hbm>> -> memref<64x768xf32, #tpu.memory_space<hbm>>
        %dma_wait3A_92 = arith.constant 0 : i32
        %dma_wait3A_93 = tpu.memref_slice %arg4[%select_n3A, %add3A_65, %dma_wait3A_92] : memref<4x8192x768xf32, #tpu.memory_space<hbm>> -> memref<1x64x768xf32, #tpu.memory_space<hbm>>
        %dma_wait3A_94 = tpu.memref_squeeze %dma_wait3A_93 : memref<1x64x768xf32, #tpu.memory_space<hbm>> -> memref<64x768xf32, #tpu.memory_space<hbm>>
        tpu.wait_dma2 semaphore(%run_scoped3A : memref<!tpu.dma_semaphore, #tpu.memory_space<semaphore_mem>>) src(%arg6 : memref<64x768xf32, #tpu.memory_space<vmem>>) dst(%dma_wait3A_94 : memref<64x768xf32, #tpu.memory_space<hbm>>)
        tpu.yield
      }) : () -> ()
      %add3A_66 = arith.constant 2 : i32
      %add3A_67 = arith.addi %add3A_47, %add3A_66 : i32
      %lt3A_68 = arith.constant 16 : i32
      %lt3A_69 = arith.cmpi slt, %add3A_67, %lt3A_68 : i32
      %convert_element_type3A = arith.extui %lt3A_69 : i1 to i32
      %cond3A = arith.constant 0 : i32
      %cond3A_70 = arith.cmpi ne, %convert_element_type3A, %cond3A : i32
      scf.if %cond3A_70 {
        %add3A_83 = arith.constant 2 : i32
        %add3A_84 = arith.addi %add3A_47, %add3A_83 : i32
        %mul3A_85 = arith.constant 64 : i32
        %mul3A_86 = arith.muli %add3A_84, %mul3A_85 : i32
        %multiple_of3A_87 = tpu.assume_multiple %mul3A_86, 64 : i32
        %dma_start3A_88 = tpu.memref_slice %arg5[%multiple_of3A_87] : memref<1024xi32, #tpu.memory_space<vmem>> -> memref<64xi32, #tpu.memory_space<vmem>>
        %dma_start3A_89 = arith.constant 0 : i32
        %dma_start3A_90 = arith.constant 0 : i32
        %dma_start3A_91 = tpu.memref_slice %arg3[%dma_start3A_89, %dma_start3A_90] : memref<8192x768xf32, #tpu.memory_space<hbm>> -> memref<8192x768xf32, #tpu.memory_space<hbm>>
        tpu.enqueue_indirect_dma source(%dma_start3A_91 : memref<8192x768xf32, #tpu.memory_space<hbm>>) target(%arg6 : memref<64x768xf32, #tpu.memory_space<vmem>>) offsets(%dma_start3A_88 : memref<64xi32, #tpu.memory_space<vmem>>) semaphore(%arg8 : memref<!tpu.dma_semaphore, #tpu.memory_space<semaphore_mem>>)
      } else {
      }
      %add3A_71 = arith.constant 1 : i32
      %add3A_72 = arith.addi %add3A_47, %add3A_71 : i32
      %dma_wait3A_73 = arith.constant 0 : i32
      %dma_wait3A_74 = arith.constant 0 : i32
      %dma_wait3A_75 = tpu.memref_slice %arg3[%dma_wait3A_73, %dma_wait3A_74] : memref<8192x768xf32, #tpu.memory_space<hbm>> -> memref<64x768xf32, #tpu.memory_space<hbm>>
      %dma_wait3A_76 = arith.constant 0 : i32
      %dma_wait3A_77 = arith.constant 0 : i32
      %dma_wait3A_78 = tpu.memref_slice %arg3[%dma_wait3A_76, %dma_wait3A_77] : memref<8192x768xf32, #tpu.memory_space<hbm>> -> memref<64x768xf32, #tpu.memory_space<hbm>>
      tpu.wait_dma2 semaphore(%arg9 : memref<!tpu.dma_semaphore, #tpu.memory_space<semaphore_mem>>) src(%dma_wait3A_78 : memref<64x768xf32, #tpu.memory_space<hbm>>) dst(%arg7 : memref<64x768xf32, #tpu.memory_space<vmem>>)
      %mul3A_79 = arith.constant 64 : i32
      %mul3A_80 = arith.muli %add3A_72, %mul3A_79 : i32
      %multiple_of3A_81 = tpu.assume_multiple %mul3A_80, 64 : i32
      %add3A_82 = arith.addi %select_n3A_34, %multiple_of3A_81 : i32
      "tpu.region"() ({
        %run_scoped3A = tpu.sem_alloc : memref<!tpu.dma_semaphore, #tpu.memory_space<semaphore_mem>>
        %dma_start3A_83 = arith.constant 0 : i32
        %dma_start3A_84 = tpu.memref_slice %arg4[%select_n3A, %add3A_82, %dma_start3A_83] : memref<4x8192x768xf32, #tpu.memory_space<hbm>> -> memref<1x64x768xf32, #tpu.memory_space<hbm>>
        %dma_start3A_85 = tpu.memref_squeeze %dma_start3A_84 : memref<1x64x768xf32, #tpu.memory_space<hbm>> -> memref<64x768xf32, #tpu.memory_space<hbm>>
        %dma_start3A_86 = arith.constant 0 : i32
        %dma_start3A_87 = tpu.memref_slice %arg4[%select_n3A, %add3A_82, %dma_start3A_86] : memref<4x8192x768xf32, #tpu.memory_space<hbm>> -> memref<1x64x768xf32, #tpu.memory_space<hbm>>
        %dma_start3A_88 = tpu.memref_squeeze %dma_start3A_87 : memref<1x64x768xf32, #tpu.memory_space<hbm>> -> memref<64x768xf32, #tpu.memory_space<hbm>>
        tpu.enqueue_dma source(%arg7 : memref<64x768xf32, #tpu.memory_space<vmem>>) target(%dma_start3A_88 : memref<64x768xf32, #tpu.memory_space<hbm>>) target_semaphore(%run_scoped3A : memref<!tpu.dma_semaphore, #tpu.memory_space<semaphore_mem>>)
        %dma_wait3A_89 = arith.constant 0 : i32
        %dma_wait3A_90 = tpu.memref_slice %arg4[%select_n3A, %add3A_82, %dma_wait3A_89] : memref<4x8192x768xf32, #tpu.memory_space<hbm>> -> memref<1x64x768xf32, #tpu.memory_space<hbm>>
        %dma_wait3A_91 = tpu.memref_squeeze %dma_wait3A_90 : memref<1x64x768xf32, #tpu.memory_space<hbm>> -> memref<64x768xf32, #tpu.memory_space<hbm>>
        %dma_wait3A_92 = arith.constant 0 : i32
        %dma_wait3A_93 = tpu.memref_slice %arg4[%select_n3A, %add3A_82, %dma_wait3A_92] : memref<4x8192x768xf32, #tpu.memory_space<hbm>> -> memref<1x64x768xf32, #tpu.memory_space<hbm>>
        %dma_wait3A_94 = tpu.memref_squeeze %dma_wait3A_93 : memref<1x64x768xf32, #tpu.memory_space<hbm>> -> memref<64x768xf32, #tpu.memory_space<hbm>>
        tpu.wait_dma2 semaphore(%run_scoped3A : memref<!tpu.dma_semaphore, #tpu.memory_space<semaphore_mem>>) src(%arg7 : memref<64x768xf32, #tpu.memory_space<vmem>>) dst(%dma_wait3A_94 : memref<64x768xf32, #tpu.memory_space<hbm>>)
        tpu.yield
      }) : () -> ()
    }
    %scan3A_42 = arith.constant 8 : i32
    return
  }
}

</mosaic_0001>

<sc_bundles>
// kernel: kernel.3.cloned.1.call-start
scs
__scs_entry_jumppad:
0x0: {  	(pc) =	sbr.rel $0x88, $3  }
0x1: {  	(tag) =	ssettag $0x0;
	lr =	simm.s32 $0x1  }
0x2: {  	[smem:$0x3F9F] =	sst lr;
	_ =	strace $0xD0000000  }
0x3: {  	_ = 	snop  }
0x4: {  	_ = 	snop  }
0x5: {  	_ = 	snop  }
0x6: {  	_ = 	snop  }
0x7: {  	_ = 	snop  }
__scs_overlays_trampoline_lowered:
0x8: {  	[smem:$0x3FAE] =	sst s0  }
0x9: {  	[smem:$0x3FAF] =	sst s1  }
0xa: {  	[smem:$0x3FB0] =	sst s2  }
0xb: {  	[smem:$0x3FB1] =	sst s3  }
0xc: {  	[smem:$0x3FB2] =	sst s4  }
0xd: {  	[smem:$0x3FB3] =	sst s5  }
0xe: {  	[smem:$0x3FB4] =	sst s6  }
0xf: {  	[smem:$0x3FB5] =	sst s7  }
0x10: {  	[smem:$0x3FB6] =	sst s8  }
0x11: {  	[smem:$0x3FB7] =	sst s9;
	s0 =	simm.s32 @!p0 $0x0  }
0x12: {  	s1 =	sld [smem:$0x3F9D];
	s0 =	simm.s32 @p0 $0x1  }
0x13: {  	[smem:$0x3FB8] =	sst s0;
	s0 =	simm.s32 @!p1 $0x0  }
0x14: {  	s2 =	sld [smem:$0x3F9C];
	s0 =	simm.s32 @p1 $0x1  }
0x15: {  	[smem:$0x3FB9] =	sst s0;
	s0 =	simm.s32 @!p2 $0x0  }
0x16: {  	s3 =	sld [smem:$0x3FDB];
	s0 =	simm.s32 @p2 $0x1  }
0x17: {  	s4 =	simm.s32 $0x1BF5;
	[smem:$0x3FBB] =	sst s0  }
0x18: {  	s0 =	sld [smem:$0x3F9E];
	_ =	swait.ge [sflag:s4], $0x0  }
0x19: {  	s7 =	sld [smem:$0x3F9F]  }
0x1a: {  	s8 =	sadd.s32 $0xFFFFE003, lr  }
0x1b: {  	s9 =	sadd.s32 $0xFFFFFEF7, lr;
	s5 =	simm.s32 $0xFFFFFFFF;
	p2 =	slt.u32 s8, $0xFFFFF086  }
0x1c: {  	p1 =	slt.u32 s9, $0xF7A;
	s5 =	simm.s32 @!p2 $0x0  }
0x1d: {  	s5 =	simm.s32 @p1 $0x1;
	p0 =	seq.s32 s7, s2  }
0x1e: {  	s7 =	smul.u32 @!p0 $0xF7A, s2;
	p2 =	seq.s32 @!p0 s5, $0x0  }
0x1f: {  	s9 =	smul.u32 $0xF7A, s1;
	s8 =	simm.s32 @!p0 $0x1BF5;
	p2 =	por !p2, p0  }
0x20: {  	[sflag:s8] =	ssyncset.s32 @!p0 $0xFFFFF086;
	s6 =	sadd.s32 @!p0 s3, s7;
	s7 =	simm.s32 @!p0 $0x108  }
0x21: {  	s3 =	sadd.s32 s3, s9;
	s6 =	sadd.s32 @!p0 $0x88, s6;
	s7 =	simm.s32 @p2 $0x1082  }
0x22: {  	[simem:s7], [sflag:s8] =	dma.local @!p0 [hbm:s6], $0xF7A  }
0x23: {  	s9 =	sor.u32 $0xD0000000, s2;
	s6 =	simm.s32 $0x108;
	_ =	swait.ge @!p0 [sflag:s8], $0x0  }
0x24: {  	s3 =	sadd.s32 $0x88, s3;
	s6 =	simm.s32 @!p1 $0x1082;
	[sflag:s4] =	ssyncset.s32 $0xFFFFF086  }
0x25: {  	[simem:s6], [sflag:s4] =	dma.local [hbm:s3], $0xF7A  }
0x26: {  	[smem:$0x3F9F] =	sst s1;
	(tag) =	ssettag s2;
	_ =	strace s9  }
0x27: {  	s1 =	sld [smem:$0x3FAF]  }
0x28: {  	s2 =	sld [smem:$0x3FB0]  }
0x29: {  	s4 =	sld [smem:$0x3FB2]  }
0x2a: {  	p0 =	seq.s32 s5, $0x0;
	s5 =	sld [smem:$0x3FB3]  }
0x2b: {  	s6 =	sld [smem:$0x3FB4]  }
0x2c: {  	s7 =	sld [smem:$0x3FB5]  }
0x2d: {  	s3 =	simm.s32 $0x108;
	s8 =	sld [smem:$0x3FB6]  }
0x2e: {  	s3 =	simm.s32 @!p0 $0x1082;
	s9 =	sld [smem:$0x3FB7]  }
0x2f: {  	lr =	sadd.s32 s0, s3;
	s0 =	sld [smem:$0x3FAE]  }
0x30: {  	s3 =	sld [smem:$0x3FB1]  }
0x31: {  	[smem:$0x3FBA] =	sst s10  }
0x32: {  	s10 =	sld [smem:$0x3FB8];
	_ =	sdelay $0x3  }
0x33: {  	p0 =	seq.s32 s10, $0x1;
	s10 =	sld [smem:$0x3FBA];
	_ =	sdelay $0x3  }
0x34: {  	[smem:$0x3FBA] =	sst s10  }
0x35: {  	s10 =	sld [smem:$0x3FB9];
	_ =	sdelay $0x3  }
0x36: {  	p1 =	seq.s32 s10, $0x1;
	s10 =	sld [smem:$0x3FBA];
	_ =	sdelay $0x3  }
0x37: {  	[smem:$0x3FBA] =	sst s10  }
0x38: {  	s10 =	sld [smem:$0x3FBB]  }
0x39: {  	_ = 	snop;
	(pc) =	sbr.ind lr, $3  }
0x3a: {  	_ = 	snop  }
0x3b: {  	_ = 	snop  }
0x3c: {  	p2 =	seq.s32 s10, $0x1;
	s10 =	sld [smem:$0x3FBA]  }
0x3d: {  	_ =	shalt  }
0x3e: {  	_ =	shalt  }
0x3f: {  	_ =	shalt  }
0x40: {  	_ =	shalt  }
0x41: {  	_ =	shalt  }
0x42: {  	_ =	shalt  }
0x43: {  	_ =	shalt  }
0x44: {  	_ =	shalt  }
0x45: {  	_ =	shalt  }
0x46: {  	_ =	shalt  }
0x47: {  	_ =	shalt  }
0x48: {  	_ =	shalt  }
0x49: {  	_ =	shalt  }
0x4a: {  	_ =	shalt  }
0x4b: {  	_ =	shalt  }
0x4c: {  	_ =	shalt  }
0x4d: {  	_ =	shalt  }
0x4e: {  	_ =	shalt  }
0x4f: {  	_ =	shalt  }
0x50: {  	_ =	shalt  }
0x51: {  	_ =	shalt  }
0x52: {  	_ =	shalt  }
0x53: {  	_ =	shalt  }
0x54: {  	_ =	shalt  }
0x55: {  	_ =	shalt  }
0x56: {  	_ =	shalt  }
0x57: {  	_ =	shalt  }
0x58: {  	_ =	shalt  }
0x59: {  	_ =	shalt  }
0x5a: {  	_ =	shalt  }
0x5b: {  	_ =	shalt  }
0x5c: {  	_ =	shalt  }
0x5d: {  	_ =	shalt  }
0x5e: {  	_ =	shalt  }
0x5f: {  	_ =	shalt  }
0x60: {  	_ =	shalt  }
0x61: {  	_ =	shalt  }
0x62: {  	_ =	shalt  }
0x63: {  	_ =	shalt  }
0x64: {  	_ =	shalt  }
0x65: {  	_ =	shalt  }
0x66: {  	_ =	shalt  }
0x67: {  	_ =	shalt  }
0x68: {  	_ =	shalt  }
0x69: {  	_ =	shalt  }
0x6a: {  	_ =	shalt  }
0x6b: {  	_ =	shalt  }
0x6c: {  	_ =	shalt  }
0x6d: {  	_ =	shalt  }
0x6e: {  	_ =	shalt  }
0x6f: {  	_ =	shalt  }
0x70: {  	_ =	shalt  }
0x71: {  	_ =	shalt  }
0x72: {  	_ =	shalt  }
0x73: {  	_ =	shalt  }
0x74: {  	_ =	shalt  }
0x75: {  	_ =	shalt  }
0x76: {  	_ =	shalt  }
0x77: {  	_ =	shalt  }
0x78: {  	_ =	shalt  }
0x79: {  	_ =	shalt  }
0x7a: {  	_ =	shalt  }
0x7b: {  	_ =	shalt  }
0x7c: {  	_ =	shalt  }
0x7d: {  	_ =	shalt  }
0x7e: {  	_ =	shalt  }
0x7f: {  	_ =	shalt  }
0x80: {  	_ =	shalt  }
0x81: {  	_ =	shalt  }
0x82: {  	_ =	shalt  }
0x83: {  	_ =	shalt  }
0x84: {  	_ =	shalt  }
0x85: {  	_ =	shalt  }
0x86: {  	_ =	shalt  }
0x87: {  	_ =	shalt  }
.Lfunc_end0:
.L_simem_size_0:
called_computation_lowered:
.L_overlay_start_0:
0x88: {  	s2 =	sld [smem:$0x3FD9]  }
0x89: {  	s3 =	sld [smem:$0x3FFE];
	_ =	sdelay $0x1  }
0x8a: {  	s1 =	srdreg.scid  }
0x8b: {  	s0 =	sand.u32 $0x1, s1  }
0x8c: {  	s18 =	sshll.u32 s0, $0xA;
	s2 =	sadd.s32 s3, s2  }
0x8d: {  	s2 =	sadd.s32 s2, s18  }
0x8e: {  	[smem:$0x3FC6] =	sst s2  }
0x8f: {  	_ = 	snop  }
0x90: {  	s2 =	sld [smem:$0x3FC9]  }
0x91: {  	s19 =	sld [smem:$0x3FC8]  }
0x92: {  	s4 =	sld [smem:$0x3FD0];
	(tm) =	ssettm $0x1  }
0x93: {  	s5 =	sld [smem:$0x3FFB];
	_ =	sdelay $0x3  }
0x94: {  	_ =	strace s5  }
0x95: {  	s5 =	sld [smem:$0x3FFC];
	_ =	sdelay $0x3  }
0x96: {  	_ =	strace s5  }
0x97: {  	s5 =	sld [smem:$0x3FFD];
	_ =	sdelay $0x3  }
0x98: {  	_ =	strace s5  }
0x99: {  	_ =	strace $0x8FFFFFFF  }
0x9a: {  	s20 =	sld [smem:$0x3FDB];
	_ =	sdelay $0x1  }
0x9b: {  	s6 =	simm.s32 $_scs_section_size  }
0x9c: {  	s7 =	simm.s32 $_size__tile_overlayer_lowered;
	s8 =	simm.s32 $_tile_overlayer_lowered  }
0x9d: {  	s23 =	simm.s32 $0x1BFF;
	s22 =	sshll.u32 s8, $0x1;
	s5 =	sadd.s32 s6, s20  }
0x9e: {  	s9 =	simm.s32 $0x0;
	s21 =	sshll.u32 s7, $0x1;
	s7 =	sadd.s32 s22, s5  }
0x9f: {  	[timem:s9], [sflag:s23] =	dma.local [hbm:s7], s21  }
0xa0: {  	_ =	swait.ge [sflag:s23], s21  }
0xa1: {  	s6 =	ssub.s32 $0x0, s21;
	[sflag:s23] =	ssyncset.done $0x0  }
0xa2: {  	[sflag:s23] =	ssyncadd.s32 s6;
	_ =	sdelay $0x1  }
0xa3: {  	s24 =	simm.s32 $0x1B8B  }
0xa4: {  	_ =	swait.ge [sflag:s24], $0x1  }
0xa5: {  	[sflag:s24] =	ssyncset.done $0x0  }
0xa6: {  	s25 =	simm.s32 $0x1B8E;
	[sflag:s24] =	ssyncadd.s32 $0xFFFFFFFF  }
0xa7: {  	s26 =	simm.s32 $execute0_lowered;
	[smem:$0x3FD2] =	sst s25  }
0xa8: {  	s6 =	sshll.u32 s26, $0x1;
	_ =	strace $0x80000046;
	[dreg:$0x1] =	wrdreg $0xFFFFFFFF  }
0xa9: {  	s28 =	simm.s32 $_size_execute0_lowered;
	s5 =	sadd.s32 s5, s6;
	[dreg:$0x0] =	wrdreg $0x0  }
0xaa: {  	s6 =	sshll.u32 s28, $0x1;
	[dreg:$0x2] =	wrdreg s5  }
0xab: {  	[dreg:$0x3] =	wrdreg s6  }
0xac: {  	[dreg:$0x4] =	wrdreg $0xC0  }
0xad: {  	_ =	task [dreg:s9], $0x5FFFF  }
0xae: {  	[dreg:$0x1] =	wrdreg $0xFFFFFFFF  }
0xaf: {  	[dreg:$0x0] =	wrdreg $0x60  }
0xb0: {  	[dreg:$0x2] =	wrdreg s2  }
0xb1: {  	[dreg:$0x3] =	wrdreg s19  }
0xb2: {  	[dreg:$0x4] =	wrdreg s4  }
0xb3: {  	[dreg:$0x5] =	wrdreg $0x9  }
0xb4: {  	_ =	task.clear_ibuf [dreg:s9], $0x6FFFF;
	_ =	strace $0x90000046  }
0xb5: {  	s29 =	simm.s32 $0x9;
	_ =	strace $0x80000048  }
0xb6: {  	_ =	swait.ge [sflag:s29], $0x1  }
0xb7: {  	[sflag:s29] =	ssyncadd.s32 $0xFFFFFFFF  }
0xb8: {  	_ =	strace $0x90000048  }
0xb9: {  	_ =	sfence  }
0xba: {  	s30 =	sld [smem:$0x0];
	_ =	sdelay $0x2  }
0xbb: {  	s31 =	sshll.u32 s1, $0xD;
	s1 =	sshrl.u32 s1, $0x2  }
0xbc: {  	s3 =	sand.u32 $0x4000, s31;
	s1 =	sadd.s32 s1, s30  }
0xbd: {  	s0 =	sor.u32 s3, s0;
	s1 =	sshll.u32 s1, $0x11  }
0xbe: {  	s0 =	sor.u32 s1, s0  }
0xbf: {  	s0 =	sadd.s32 $0x8F2B, s0  }
0xc0: {  	[sflag:s0] =	ssyncadd.remote.s32 $0x1  }
0xc1: {  	_ =	sfence.sel $0xFFFF  }
0xc2: {  	[dreg:$0x0] =	wrdreg $0xFFFFFFFF;
	(pc) =	sbr.abs _section_cstart, $3  }
0xc3: {  	[dreg:$0x1] =	wrdreg $0xFFFFFFFF  }
0xc4: {  	_ =	task.clear_ibuf [dreg:s9], $0x2FFFF;
	_ =	strace $0x9FFFFFFF  }
0xc5: {  	(tm) =	ssettm $0x7FFFFFFF  }
tec
execute0_lowered:
.L_overlay_start_1:
0x0: {  	(tag) =	ssettag $0x1  }
0x1: {  	s0 =	rddreg [dreg:$0x0]  }
0x2: {  	s2 =	rddreg [dreg:$0x1]  }
0x3: {  	s1 =	rddreg [dreg:$0x2]  }
0x4: {  	s3 =	srdreg.scid;
	s7 =	stileid.u32;
	s12 =	simm.s32 $0x3  }
0x5: {  	s13 =	simm.s32 $0x400;
	s14 =	simm.s32 $0xC400;
	s21 =	simm.s32 $0xFC00  }
0x6: {  	s28 =	simm.s32 $0x12C00;
	s29 =	simm.s32 $0x13400;
	s30 =	simm.s32 $0x13C00  }
0x7: {  	s31 =	simm.s32 $0x14400;
	s11 =	simm.s32 $0x16400;
	s15 =	simm.s32 $0x17C00  }
0x8: {  	s16 =	simm.s32 $0x1;
	s17 =	simm.s32 $0x2;
	s19 =	simm.s32 $0x0  }
0x9: {  	s4 =	sand.u32 $0x1, s3;
	s5 =	sshll.u32 s7, $0xB;
	s3 =	simm.s32 $0x0  }
0xa: {  	s22 =	sshrl.u32 s7, $0x2;
	s6 =	sshll.u32 s4, $0xA;
	s5 =	sand.u32 $0x1800, s5  }
0xb: {  	[smem:$0x7FF] =	sst s3;
	s4 =	ssub.s32 $0x2, s4;
	s9 =	sshll.u32 s22, $0x7  }
0xc: {  	s5 =	sor.u32 s6, s5;
	s6 =	smul.u32 $0x600000, s22;
	s24 =	sshrl.u32 s4, $0x1  }
0xd: {  	_ =	strace $0x80000047;
	s22 =	simm.s32 $0x10400;
	s23 =	sshll.u32 s5, $0x2  }
0xe: {  	s8 =	sor.u32 $0x40, s5;
	s5 =	sshrl.u32 s5, $0x3;
	s4 =	ssub.s32 s4, s24  }
0xf: {  	s24 =	simm.s32 $0x11400;
	s8 =	sshrl.u32 s8, $0x3;
	s7 =	sor.u32 s9, s23  }
0x10: {  	s10 =	smul.u32 $0x1800, s5;
	s5 =	sadd.s32 $0x100, s2;
	s4 =	smax.u32 s4, $0x1  }
0x11: {  	s23 =	simm.s32 $0x10C00;
	s8 =	smul.u32 $0x1800, s8;
	s7 =	sshrl.u32 s7, $0x3  }
0x12: {  	[dreg:$0x5] =	wrdreg s4;
	s4 =	simm.s32 $0x16C00;
	s0 =	sadd.s32 s0, s7  }
.Ltmp0:
0x13: {  	s26 =	sadd.s32 s10, s6;
	s10 =	simm.s32 $0x15C00;
	(pc) =	sbr.rel .LBB2_1-.Ltmp0, $4  }
0x14: {  	[dreg:$0x4] =	wrdreg s0;
	s25 =	sadd.s32 s8, s6;
	s6 =	sadd.s32 $0x200, s2  }
0x15: {  	v2 =	vlaneseq.u32;
	s7 =	sshrl.u32 s26, $0x3;
	s26 =	simm.s32 $0x12400;
	s0 =	sshrl.u32 s25, $0x3  }
0x16: {  	vm0 =	vmmov $0xffff;
	v1 =	vshrl.u32 v2, $0x3;
	s9 =	sadd.s32 s7, s1;
	s25 =	simm.s32 $0x11C00;
	s7 =	simm.s32 $0x17400  }
0x17: {  	v0 =	vand.u32 $0x7, v2;
	v2 =	vor.u32 $0x8, v2;
	v1 =	vmul.u32 $0x8, v1;
	s8 =	sadd.s32 s0, s1;
	s0 =	simm.s32 $0x14C00;
	s1 =	simm.s32 $0x15400  }
.LBB2_5:
0x18: {  	s19 =	rddreg [dreg:$0x6]  }
0x19: {  	s18 =	rddreg [dreg:$0x5];
	s19 =	sadd.s32 $0x1, s19  }
0x1a: {  	p0 =	sne.s32 s19, s18  }
.Ltmp1:
0x1b: {  	_ = 	snop;
	(pc) =	sbr.rel @!p0 .LBB2_6-.Ltmp1, $1  }
0x1c: {  	_ =	sdelay $0x3  }
.LBB2_1:
0x1d: {  	[dreg:$0x6] =	wrdreg s19  }
0x1e: {  	s18 =	rddreg [dreg:$0x4];
	s19 =	simm.s32 $0x80;
	s20 =	simm.s32 $0x200  }
0x1f: {  	[tilespmem:s3], [sflag:$0x3] =	stream.strided.gather [hbm4b:s18+s19], $0x400, s20, s19, $0x38;
	[tilespmem:$0x18400] =	vst v63  }
0x20: {  	_ =	swait.ge [sflag:s12], $0x400  }
0x21: {  	[sflag:s12] =	ssyncset.done $0x0  }
0x22: {  	[sflag:s12] =	ssyncadd.s32 $0xFFFFFC00  }
0x23: {  	v3 =	vld [tilespmem:$0x0];
	_ =	sdelay $0x4  }
0x24: {  	v4 =	vshrl.u32 v3, $0x3  }
0x25: {  	v4 =	vmul.u32 $0x30, v4  }
0x26: {  	v3 =	vand.u32 $0x7, v3  }
0x27: {  	v3 =	vor.u32 v3, v4  }
0x28: {  	v4 =	vperm.xlane v3, v0;
	_ =	sdelay $0x1  }
0x29: {  	v4 =	vadd.s32 v1, v4;
	_ =	sdelay $0x3  }
0x2a: {  	v3 =	vperm.xlane v3, v2  }
0x2b: {  	[tilespmem:s13], [sflag:$0x1] =	stream.indirect_vreg.gather [hbm4b:s2+s3], $0x80, v4, vm0, $0xb8;
	[tilespmem:$0x18400] =	vst v63  }
0x2c: {  	s20 =	simm.s32 $0xC00;
	v3 =	vadd.s32 v1, v3  }
0x2d: {  	[tilespmem:s20], [sflag:$0x1] =	stream.indirect_vreg.gather [hbm4b:s5+s3], $0x80, v4, vm0, $0xb8;
	[tilespmem:$0x18400] =	vst v63  }
0x2e: {  	s19 =	simm.s32 $0x1400  }
0x2f: {  	[tilespmem:s19], [sflag:$0x1] =	stream.indirect_vreg.gather [hbm4b:s6+s3], $0x80, v4, vm0, $0xb8;
	[tilespmem:$0x18400] =	vst v63  }
0x30: {  	s20 =	simm.s32 $0x1C00  }
0x31: {  	[tilespmem:s20], [sflag:$0x1] =	stream.indirect_vreg.gather [hbm4b:s2+s3], $0x80, v3, vm0, $0xb8;
	[tilespmem:$0x18400] =	vst v63  }
0x32: {  	s19 =	simm.s32 $0x2400  }
0x33: {  	[tilespmem:s19], [sflag:$0x1] =	stream.indirect_vreg.gather [hbm4b:s5+s3], $0x80, v3, vm0, $0xb8;
	[tilespmem:$0x18400] =	vst v63  }
0x34: {  	s20 =	simm.s32 $0x2C00  }
0x35: {  	[tilespmem:s20], [sflag:$0x1] =	stream.indirect_vreg.gather [hbm4b:s6+s3], $0x80, v3, vm0, $0xb8;
	[tilespmem:$0x18400] =	vst v63  }
0x36: {  	v3 =	vld [tilespmem:$0x10];
	_ =	sdelay $0x4  }
0x37: {  	v61 =	vshrl.u32 v3, $0x3  }
0x38: {  	v4 =	vmul.u32 $0x30, v61  }
0x39: {  	v3 =	vand.u32 $0x7, v3  }
0x3a: {  	v3 =	vor.u32 v3, v4  }
0x3b: {  	v4 =	vperm.xlane v3, v0;
	_ =	sdelay $0x1  }
0x3c: {  	v4 =	vadd.s32 v1, v4;
	_ =	sdelay $0x3  }
0x3d: {  	s19 =	simm.s32 $0x3400;
	v3 =	vperm.xlane v3, v2  }
0x3e: {  	[tilespmem:s19], [sflag:$0x1] =	stream.indirect_vreg.gather [hbm4b:s2+s3], $0x80, v4, vm0, $0xb8;
	[tilespmem:$0x18400] =	vst v63  }
0x3f: {  	s20 =	simm.s32 $0x3C00;
	v3 =	vadd.s32 v1, v3  }
0x40: {  	[tilespmem:s20], [sflag:$0x1] =	stream.indirect_vreg.gather [hbm4b:s5+s3], $0x80, v4, vm0, $0xb8;
	[tilespmem:$0x18400] =	vst v63  }
0x41: {  	s19 =	simm.s32 $0x4400  }
0x42: {  	[tilespmem:s19], [sflag:$0x1] =	stream.indirect_vreg.gather [hbm4b:s6+s3], $0x80, v4, vm0, $0xb8;
	[tilespmem:$0x18400] =	vst v63  }
0x43: {  	s20 =	simm.s32 $0x4C00  }
0x44: {  	[tilespmem:s20], [sflag:$0x1] =	stream.indirect_vreg.gather [hbm4b:s2+s3], $0x80, v3, vm0, $0xb8;
	[tilespmem:$0x18400] =	vst v63  }
0x45: {  	s19 =	simm.s32 $0x5400  }
0x46: {  	[tilespmem:s19], [sflag:$0x1] =	stream.indirect_vreg.gather [hbm4b:s5+s3], $0x80, v3, vm0, $0xb8;
	[tilespmem:$0x18400] =	vst v63  }
0x47: {  	s20 =	simm.s32 $0x5C00  }
0x48: {  	[tilespmem:s20], [sflag:$0x1] =	stream.indirect_vreg.gather [hbm4b:s6+s3], $0x80, v3, vm0, $0xb8;
	[tilespmem:$0x18400] =	vst v63  }
0x49: {  	v3 =	vld [tilespmem:$0x20];
	_ =	sdelay $0x4  }
0x4a: {  	v62 =	vshrl.u32 v3, $0x3  }
0x4b: {  	v4 =	vmul.u32 $0x30, v62  }
0x4c: {  	v3 =	vand.u32 $0x7, v3  }
0x4d: {  	v3 =	vor.u32 v3, v4  }
0x4e: {  	v4 =	vperm.xlane v3, v0;
	_ =	sdelay $0x1  }
0x4f: {  	v4 =	vadd.s32 v1, v4;
	_ =	sdelay $0x3  }
0x50: {  	s19 =	simm.s32 $0x6400;
	v3 =	vperm.xlane v3, v2  }
0x51: {  	[tilespmem:s19], [sflag:$0x1] =	stream.indirect_vreg.gather [hbm4b:s2+s3], $0x80, v4, vm0, $0xb8;
	[tilespmem:$0x18400] =	vst v63  }
0x52: {  	s20 =	simm.s32 $0x6C00;
	v3 =	vadd.s32 v1, v3  }
0x53: {  	[tilespmem:s20], [sflag:$0x1] =	stream.indirect_vreg.gather [hbm4b:s5+s3], $0x80, v4, vm0, $0xb8;
	[tilespmem:$0x18400] =	vst v63  }
0x54: {  	s19 =	simm.s32 $0x7400  }
0x55: {  	[tilespmem:s19], [sflag:$0x1] =	stream.indirect_vreg.gather [hbm4b:s6+s3], $0x80, v4, vm0, $0xb8;
	[tilespmem:$0x18400] =	vst v63  }
0x56: {  	s20 =	simm.s32 $0x7C00  }
0x57: {  	[tilespmem:s20], [sflag:$0x1] =	stream.indirect_vreg.gather [hbm4b:s2+s3], $0x80, v3, vm0, $0xb8;
	[tilespmem:$0x18400] =	vst v63  }
0x58: {  	s19 =	simm.s32 $0x8400  }
0x59: {  	[tilespmem:s19], [sflag:$0x1] =	stream.indirect_vreg.gather [hbm4b:s5+s3], $0x80, v3, vm0, $0xb8;
	[tilespmem:$0x18400] =	vst v63  }
0x5a: {  	s20 =	simm.s32 $0x8C00  }
0x5b: {  	[tilespmem:s20], [sflag:$0x1] =	stream.indirect_vreg.gather [hbm4b:s6+s3], $0x80, v3, vm0, $0xb8;
	[tilespmem:$0x18400] =	vst v63  }
0x5c: {  	v3 =	vld [tilespmem:$0x30];
	_ =	sdelay $0x4  }
0x5d: {  	v63 =	vshrl.u32 v3, $0x3  }
0x5e: {  	v4 =	vmul.u32 $0x30, v63  }
0x5f: {  	v3 =	vand.u32 $0x7, v3  }
0x60: {  	v3 =	vor.u32 v3, v4  }
0x61: {  	v4 =	vperm.xlane v3, v0;
	_ =	sdelay $0x1  }
0x62: {  	v4 =	vadd.s32 v1, v4;
	_ =	sdelay $0x3  }
0x63: {  	s19 =	simm.s32 $0x9400;
	v3 =	vperm.xlane v3, v2  }
0x64: {  	[tilespmem:s19], [sflag:$0x1] =	stream.indirect_vreg.gather [hbm4b:s2+s3], $0x80, v4, vm0, $0xb8;
	[tilespmem:$0x18400] =	vst v63  }
0x65: {  	s20 =	simm.s32 $0x9C00;
	v3 =	vadd.s32 v1, v3  }
0x66: {  	[tilespmem:s20], [sflag:$0x1] =	stream.indirect_vreg.gather [hbm4b:s5+s3], $0x80, v4, vm0, $0xb8;
	[tilespmem:$0x18400] =	vst v63  }
0x67: {  	s19 =	simm.s32 $0xA400  }
0x68: {  	[tilespmem:s19], [sflag:$0x1] =	stream.indirect_vreg.gather [hbm4b:s6+s3], $0x80, v4, vm0, $0xb8;
	[tilespmem:$0x18400] =	vst v63  }
0x69: {  	s20 =	simm.s32 $0xAC00  }
0x6a: {  	[tilespmem:s20], [sflag:$0x1] =	stream.indirect_vreg.gather [hbm4b:s2+s3], $0x80, v3, vm0, $0xb8;
	[tilespmem:$0x18400] =	vst v63  }
.Ltmp2:
0x6b: {  	_ = 	snop;
	(pc) =	sbr.rel .LBB2_2-.Ltmp2, $4  }
0x6c: {  	s19 =	simm.s32 $0xB400  }
0x6d: {  	[tilespmem:s19], [sflag:$0x1] =	stream.indirect_vreg.gather [hbm4b:s5+s3], $0x80, v3, vm0, $0xb8;
	[tilespmem:$0x18400] =	vst v63  }
0x6e: {  	s18 =	simm.s32 $0x60;
	s20 =	simm.s32 $0xBC00;
	s19 =	simm.s32 $0x0  }
0x6f: {  	[tilespmem:s20], [sflag:$0x1] =	stream.indirect_vreg.gather [hbm4b:s6+s3], $0x80, v3, vm0, $0xb8;
	[tilespmem:$0x18400] =	vst v63  }
.LBB2_4:
0x70: {  	_ =	swait.ge [sflag:s17], $0xC000;
	s20 =	sadd.s32 s19, s8;
	s19 =	sadd.s32 $0x3000, s19  }
0x71: {  	[sflag:s17] =	ssyncset.done $0x0;
	p0 =	sne.s32 s19, $0x18000  }
.Ltmp3:
0x72: {  	[sflag:s17] =	ssyncadd.s32 $0xFFFF4000;
	(pc) =	sbr.rel @!p0 .LBB2_5-.Ltmp3, $4  }
0x73: {  	[hbm4b:s20+s3] =	stream.linear.scatter [tilespmem:s14], [sflag:$0x3], $0xC000, $0x38;
	[tilespmem:$0x18400] =	vst v63  }
0x74: {  	_ =	swait.ge [sflag:s12], $0xC000  }
0x75: {  	[sflag:s12] =	ssyncset.done $0x0  }
0x76: {  	s18 =	sadd.s32 $0x80, s18;
	[sflag:s12] =	ssyncadd.s32 $0xFFFF4000  }
.LBB2_2:
0x77: {  	v3 =	vld [tilespmem:s18+$0xFFFFFFE0];
	_ =	sdelay $0x4  }
0x78: {  	v4 =	vshrl.u32 v3, $0x3  }
0x79: {  	v4 =	vmul.u32 $0x30, v4  }
0x7a: {  	v3 =	vand.u32 $0x7, v3  }
0x7b: {  	v3 =	vor.u32 v3, v4  }
0x7c: {  	v4 =	vperm.xlane v3, v0;
	_ =	sdelay $0x1  }
0x7d: {  	v4 =	vadd.s32 v1, v4;
	_ =	sdelay $0x3  }
0x7e: {  	v3 =	vperm.xlane v3, v2  }
0x7f: {  	[tilespmem:s14], [sflag:$0x2] =	stream.indirect_vreg.gather [hbm4b:s2+s3], $0x80, v4, vm0, $0xb8;
	[tilespmem:$0x18400] =	vst v63  }
0x80: {  	s20 =	simm.s32 $0xCC00;
	v3 =	vadd.s32 v1, v3  }
0x81: {  	[tilespmem:s20], [sflag:$0x2] =	stream.indirect_vreg.gather [hbm4b:s5+s3], $0x80, v4, vm0, $0xb8;
	[tilespmem:$0x18400] =	vst v63  }
0x82: {  	s20 =	simm.s32 $0xD400  }
0x83: {  	[tilespmem:s20], [sflag:$0x2] =	stream.indirect_vreg.gather [hbm4b:s6+s3], $0x80, v4, vm0, $0xb8;
	[tilespmem:$0x18400] =	vst v63  }
0x84: {  	s20 =	simm.s32 $0xDC00  }
0x85: {  	[tilespmem:s20], [sflag:$0x2] =	stream.indirect_vreg.gather [hbm4b:s2+s3], $0x80, v3, vm0, $0xb8;
	[tilespmem:$0x18400] =	vst v63  }
0x86: {  	s20 =	simm.s32 $0xE400  }
0x87: {  	[tilespmem:s20], [sflag:$0x2] =	stream.indirect_vreg.gather [hbm4b:s5+s3], $0x80, v3, vm0, $0xb8;
	[tilespmem:$0x18400] =	vst v63  }
0x88: {  	s20 =	simm.s32 $0xEC00  }
0x89: {  	[tilespmem:s20], [sflag:$0x2] =	stream.indirect_vreg.gather [hbm4b:s6+s3], $0x80, v3, vm0, $0xb8;
	[tilespmem:$0x18400] =	vst v63  }
0x8a: {  	v3 =	vld [tilespmem:s18+$0xFFFFFFF0];
	_ =	sdelay $0x4  }
0x8b: {  	v61 =	vshrl.u32 v3, $0x3  }
0x8c: {  	v4 =	vmul.u32 $0x30, v61  }
0x8d: {  	v3 =	vand.u32 $0x7, v3  }
0x8e: {  	v3 =	vor.u32 v3, v4  }
0x8f: {  	v4 =	vperm.xlane v3, v0;
	_ =	sdelay $0x1  }
0x90: {  	v4 =	vadd.s32 v1, v4;
	_ =	sdelay $0x3  }
0x91: {  	s20 =	simm.s32 $0xF400;
	v3 =	vperm.xlane v3, v2  }
0x92: {  	[tilespmem:s20], [sflag:$0x2] =	stream.indirect_vreg.gather [hbm4b:s2+s3], $0x80, v4, vm0, $0xb8;
	[tilespmem:$0x18400] =	vst v63  }
0x93: {  	v3 =	vadd.s32 v1, v3  }
0x94: {  	[tilespmem:s21], [sflag:$0x2] =	stream.indirect_vreg.gather [hbm4b:s5+s3], $0x80, v4, vm0, $0xb8;
	[tilespmem:$0x18400] =	vst v63  }
0x95: {  	_ = 	snop  }
0x96: {  	[tilespmem:s22], [sflag:$0x2] =	stream.indirect_vreg.gather [hbm4b:s6+s3], $0x80, v4, vm0, $0xb8;
	[tilespmem:$0x18400] =	vst v63  }
0x97: {  	_ = 	snop  }
0x98: {  	[tilespmem:s23], [sflag:$0x2] =	stream.indirect_vreg.gather [hbm4b:s2+s3], $0x80, v3, vm0, $0xb8;
	[tilespmem:$0x18400] =	vst v63  }
0x99: {  	_ = 	snop  }
0x9a: {  	[tilespmem:s24], [sflag:$0x2] =	stream.indirect_vreg.gather [hbm4b:s5+s3], $0x80, v3, vm0, $0xb8;
	[tilespmem:$0x18400] =	vst v63  }
0x9b: {  	_ = 	snop  }
0x9c: {  	[tilespmem:s25], [sflag:$0x2] =	stream.indirect_vreg.gather [hbm4b:s6+s3], $0x80, v3, vm0, $0xb8;
	[tilespmem:$0x18400] =	vst v63  }
0x9d: {  	v3 =	vld [tilespmem:s18+$0x0];
	_ =	sdelay $0x4  }
0x9e: {  	v62 =	vshrl.u32 v3, $0x3  }
0x9f: {  	v4 =	vmul.u32 $0x30, v62  }
0xa0: {  	v3 =	vand.u32 $0x7, v3  }
0xa1: {  	v3 =	vor.u32 v3, v4  }
0xa2: {  	v4 =	vperm.xlane v3, v0;
	_ =	sdelay $0x1  }
0xa3: {  	v4 =	vadd.s32 v1, v4;
	_ =	sdelay $0x3  }
0xa4: {  	v3 =	vperm.xlane v3, v2  }
0xa5: {  	[tilespmem:s26], [sflag:$0x2] =	stream.indirect_vreg.gather [hbm4b:s2+s3], $0x80, v4, vm0, $0xb8;
	[tilespmem:$0x18400] =	vst v63  }
0xa6: {  	v3 =	vadd.s32 v1, v3  }
0xa7: {  	[tilespmem:s28], [sflag:$0x2] =	stream.indirect_vreg.gather [hbm4b:s5+s3], $0x80, v4, vm0, $0xb8;
	[tilespmem:$0x18400] =	vst v63  }
0xa8: {  	_ = 	snop  }
0xa9: {  	[tilespmem:s29], [sflag:$0x2] =	stream.indirect_vreg.gather [hbm4b:s6+s3], $0x80, v4, vm0, $0xb8;
	[tilespmem:$0x18400] =	vst v63  }
0xaa: {  	_ = 	snop  }
0xab: {  	[tilespmem:s30], [sflag:$0x2] =	stream.indirect_vreg.gather [hbm4b:s2+s3], $0x80, v3, vm0, $0xb8;
	[tilespmem:$0x18400] =	vst v63  }
0xac: {  	_ = 	snop  }
0xad: {  	[tilespmem:s31], [sflag:$0x2] =	stream.indirect_vreg.gather [hbm4b:s5+s3], $0x80, v3, vm0, $0xb8;
	[tilespmem:$0x18400] =	vst v63  }
0xae: {  	_ = 	snop  }
0xaf: {  	[tilespmem:s0], [sflag:$0x2] =	stream.indirect_vreg.gather [hbm4b:s6+s3], $0x80, v3, vm0, $0xb8;
	[tilespmem:$0x18400] =	vst v63  }
0xb0: {  	v3 =	vld [tilespmem:s18+$0x10];
	_ =	sdelay $0x4  }
0xb1: {  	v63 =	vshrl.u32 v3, $0x3  }
0xb2: {  	v4 =	vmul.u32 $0x30, v63  }
0xb3: {  	v3 =	vand.u32 $0x7, v3  }
0xb4: {  	v3 =	vor.u32 v3, v4  }
0xb5: {  	v4 =	vperm.xlane v3, v0;
	_ =	sdelay $0x1  }
0xb6: {  	v4 =	vadd.s32 v1, v4;
	_ =	sdelay $0x3  }
0xb7: {  	v3 =	vperm.xlane v3, v2  }
0xb8: {  	[tilespmem:s1], [sflag:$0x2] =	stream.indirect_vreg.gather [hbm4b:s2+s3], $0x80, v4, vm0, $0xb8;
	[tilespmem:$0x18400] =	vst v63  }
0xb9: {  	v3 =	vadd.s32 v1, v3  }
0xba: {  	[tilespmem:s10], [sflag:$0x2] =	stream.indirect_vreg.gather [hbm4b:s5+s3], $0x80, v4, vm0, $0xb8;
	[tilespmem:$0x18400] =	vst v63  }
0xbb: {  	_ = 	snop  }
0xbc: {  	[tilespmem:s11], [sflag:$0x2] =	stream.indirect_vreg.gather [hbm4b:s6+s3], $0x80, v4, vm0, $0xb8;
	[tilespmem:$0x18400] =	vst v63  }
0xbd: {  	_ = 	snop  }
0xbe: {  	[tilespmem:s4], [sflag:$0x2] =	stream.indirect_vreg.gather [hbm4b:s2+s3], $0x80, v3, vm0, $0xb8;
	[tilespmem:$0x18400] =	vst v63  }
0xbf: {  	_ = 	snop  }
0xc0: {  	[tilespmem:s7], [sflag:$0x2] =	stream.indirect_vreg.gather [hbm4b:s5+s3], $0x80, v3, vm0, $0xb8;
	[tilespmem:$0x18400] =	vst v63  }
0xc1: {  	_ = 	snop  }
0xc2: {  	[tilespmem:s15], [sflag:$0x2] =	stream.indirect_vreg.gather [hbm4b:s6+s3], $0x80, v3, vm0, $0xb8;
	[tilespmem:$0x18400] =	vst v63  }
0xc3: {  	_ =	swait.ge [sflag:s16], $0xC000  }
0xc4: {  	p0 =	seq.s32 s19, $0x15000;
	[sflag:s16] =	ssyncset.done $0x0  }
.Ltmp4:
0xc5: {  	s20 =	sadd.s32 s19, s9;
	[sflag:s16] =	ssyncadd.s32 $0xFFFF4000;
	(pc) =	sbr.rel @p0 .LBB2_4-.Ltmp4, $4  }
0xc6: {  	[hbm4b:s20+s3] =	stream.linear.scatter [tilespmem:s13], [sflag:$0x3], $0xC000, $0x38;
	[tilespmem:$0x18400] =	vst v63  }
0xc7: {  	_ =	swait.ge [sflag:s12], $0xC000  }
0xc8: {  	[sflag:s12] =	ssyncset.done $0x0  }
0xc9: {  	[sflag:s12] =	ssyncadd.s32 $0xFFFF4000  }
0xca: {  	v3 =	vld [tilespmem:s18+$0x20];
	_ =	sdelay $0x4  }
0xcb: {  	v4 =	vshrl.u32 v3, $0x3  }
0xcc: {  	v4 =	vmul.u32 $0x30, v4  }
0xcd: {  	v3 =	vand.u32 $0x7, v3  }
0xce: {  	v3 =	vor.u32 v3, v4  }
0xcf: {  	v4 =	vperm.xlane v3, v0;
	_ =	sdelay $0x1  }
0xd0: {  	v4 =	vadd.s32 v1, v4;
	_ =	sdelay $0x3  }
0xd1: {  	v3 =	vperm.xlane v3, v2  }
0xd2: {  	[tilespmem:s13], [sflag:$0x1] =	stream.indirect_vreg.gather [hbm4b:s2+s3], $0x80, v4, vm0, $0xb8;
	[tilespmem:$0x18400] =	vst v63  }
0xd3: {  	s20 =	simm.s32 $0xC00;
	v3 =	vadd.s32 v1, v3  }
0xd4: {  	[tilespmem:s20], [sflag:$0x1] =	stream.indirect_vreg.gather [hbm4b:s5+s3], $0x80, v4, vm0, $0xb8;
	[tilespmem:$0x18400] =	vst v63  }
0xd5: {  	s20 =	simm.s32 $0x1400  }
0xd6: {  	[tilespmem:s20], [sflag:$0x1] =	stream.indirect_vreg.gather [hbm4b:s6+s3], $0x80, v4, vm0, $0xb8;
	[tilespmem:$0x18400] =	vst v63  }
0xd7: {  	s20 =	simm.s32 $0x1C00  }
0xd8: {  	[tilespmem:s20], [sflag:$0x1] =	stream.indirect_vreg.gather [hbm4b:s2+s3], $0x80, v3, vm0, $0xb8;
	[tilespmem:$0x18400] =	vst v63  }
0xd9: {  	s20 =	simm.s32 $0x2400  }
0xda: {  	[tilespmem:s20], [sflag:$0x1] =	stream.indirect_vreg.gather [hbm4b:s5+s3], $0x80, v3, vm0, $0xb8;
	[tilespmem:$0x18400] =	vst v63  }
0xdb: {  	s20 =	simm.s32 $0x2C00  }
0xdc: {  	[tilespmem:s20], [sflag:$0x1] =	stream.indirect_vreg.gather [hbm4b:s6+s3], $0x80, v3, vm0, $0xb8;
	[tilespmem:$0x18400] =	vst v63  }
0xdd: {  	v3 =	vld [tilespmem:s18+$0x30];
	_ =	sdelay $0x4  }
0xde: {  	v61 =	vshrl.u32 v3, $0x3  }
0xdf: {  	v4 =	vmul.u32 $0x30, v61  }
0xe0: {  	v3 =	vand.u32 $0x7, v3  }
0xe1: {  	v3 =	vor.u32 v3, v4  }
0xe2: {  	v4 =	vperm.xlane v3, v0;
	_ =	sdelay $0x1  }
0xe3: {  	v4 =	vadd.s32 v1, v4;
	_ =	sdelay $0x3  }
0xe4: {  	s20 =	simm.s32 $0x3400;
	v3 =	vperm.xlane v3, v2  }
0xe5: {  	[tilespmem:s20], [sflag:$0x1] =	stream.indirect_vreg.gather [hbm4b:s2+s3], $0x80, v4, vm0, $0xb8;
	[tilespmem:$0x18400] =	vst v63  }
0xe6: {  	v3 =	vadd.s32 v1, v3;
	s20 =	simm.s32 $0x3C00  }
0xe7: {  	[tilespmem:s20], [sflag:$0x1] =	stream.indirect_vreg.gather [hbm4b:s5+s3], $0x80, v4, vm0, $0xb8;
	[tilespmem:$0x18400] =	vst v63  }
0xe8: {  	s20 =	simm.s32 $0x4400  }
0xe9: {  	[tilespmem:s20], [sflag:$0x1] =	stream.indirect_vreg.gather [hbm4b:s6+s3], $0x80, v4, vm0, $0xb8;
	[tilespmem:$0x18400] =	vst v63  }
0xea: {  	s20 =	simm.s32 $0x4C00  }
0xeb: {  	[tilespmem:s20], [sflag:$0x1] =	stream.indirect_vreg.gather [hbm4b:s2+s3], $0x80, v3, vm0, $0xb8;
	[tilespmem:$0x18400] =	vst v63  }
0xec: {  	s20 =	simm.s32 $0x5400  }
0xed: {  	[tilespmem:s20], [sflag:$0x1] =	stream.indirect_vreg.gather [hbm4b:s5+s3], $0x80, v3, vm0, $0xb8;
	[tilespmem:$0x18400] =	vst v63  }
0xee: {  	s20 =	simm.s32 $0x5C00  }
0xef: {  	[tilespmem:s20], [sflag:$0x1] =	stream.indirect_vreg.gather [hbm4b:s6+s3], $0x80, v3, vm0, $0xb8;
	[tilespmem:$0x18400] =	vst v63  }
0xf0: {  	v3 =	vld [tilespmem:s18+$0x40];
	_ =	sdelay $0x4  }
0xf1: {  	v62 =	vshrl.u32 v3, $0x3  }
0xf2: {  	v4 =	vmul.u32 $0x30, v62  }
0xf3: {  	v3 =	vand.u32 $0x7, v3  }
0xf4: {  	v3 =	vor.u32 v3, v4  }
0xf5: {  	v4 =	vperm.xlane v3, v0;
	_ =	sdelay $0x1  }
0xf6: {  	v4 =	vadd.s32 v1, v4;
	_ =	sdelay $0x3  }
0xf7: {  	s20 =	simm.s32 $0x6400;
	v3 =	vperm.xlane v3, v2  }
0xf8: {  	[tilespmem:s20], [sflag:$0x1] =	stream.indirect_vreg.gather [hbm4b:s2+s3], $0x80, v4, vm0, $0xb8;
	[tilespmem:$0x18400] =	vst v63  }
0xf9: {  	v3 =	vadd.s32 v1, v3;
	s20 =	simm.s32 $0x6C00  }
0xfa: {  	[tilespmem:s20], [sflag:$0x1] =	stream.indirect_vreg.gather [hbm4b:s5+s3], $0x80, v4, vm0, $0xb8;
	[tilespmem:$0x18400] =	vst v63  }
0xfb: {  	s20 =	simm.s32 $0x7400  }
0xfc: {  	[tilespmem:s20], [sflag:$0x1] =	stream.indirect_vreg.gather [hbm4b:s6+s3], $0x80, v4, vm0, $0xb8;
	[tilespmem:$0x18400] =	vst v63  }
0xfd: {  	s20 =	simm.s32 $0x7C00  }
0xfe: {  	[tilespmem:s20], [sflag:$0x1] =	stream.indirect_vreg.gather [hbm4b:s2+s3], $0x80, v3, vm0, $0xb8;
	[tilespmem:$0x18400] =	vst v63  }
0xff: {  	s20 =	simm.s32 $0x8400  }
0x100: {  	[tilespmem:s20], [sflag:$0x1] =	stream.indirect_vreg.gather [hbm4b:s5+s3], $0x80, v3, vm0, $0xb8;
	[tilespmem:$0x18400] =	vst v63  }
0x101: {  	s20 =	simm.s32 $0x8C00  }
0x102: {  	[tilespmem:s20], [sflag:$0x1] =	stream.indirect_vreg.gather [hbm4b:s6+s3], $0x80, v3, vm0, $0xb8;
	[tilespmem:$0x18400] =	vst v63  }
0x103: {  	v3 =	vld [tilespmem:s18+$0x50];
	_ =	sdelay $0x4  }
0x104: {  	v63 =	vshrl.u32 v3, $0x3  }
0x105: {  	v4 =	vmul.u32 $0x30, v63  }
0x106: {  	v3 =	vand.u32 $0x7, v3  }
0x107: {  	v3 =	vor.u32 v3, v4  }
0x108: {  	v4 =	vperm.xlane v3, v0;
	_ =	sdelay $0x1  }
0x109: {  	v4 =	vadd.s32 v1, v4;
	_ =	sdelay $0x3  }
0x10a: {  	s20 =	simm.s32 $0x9400;
	v3 =	vperm.xlane v3, v2  }
0x10b: {  	[tilespmem:s20], [sflag:$0x1] =	stream.indirect_vreg.gather [hbm4b:s2+s3], $0x80, v4, vm0, $0xb8;
	[tilespmem:$0x18400] =	vst v63  }
0x10c: {  	v3 =	vadd.s32 v1, v3;
	s20 =	simm.s32 $0x9C00  }
0x10d: {  	[tilespmem:s20], [sflag:$0x1] =	stream.indirect_vreg.gather [hbm4b:s5+s3], $0x80, v4, vm0, $0xb8;
	[tilespmem:$0x18400] =	vst v63  }
0x10e: {  	s20 =	simm.s32 $0xA400  }
0x10f: {  	[tilespmem:s20], [sflag:$0x1] =	stream.indirect_vreg.gather [hbm4b:s6+s3], $0x80, v4, vm0, $0xb8;
	[tilespmem:$0x18400] =	vst v63  }
0x110: {  	s20 =	simm.s32 $0xAC00  }
0x111: {  	[tilespmem:s20], [sflag:$0x1] =	stream.indirect_vreg.gather [hbm4b:s2+s3], $0x80, v3, vm0, $0xb8;
	[tilespmem:$0x18400] =	vst v63  }
.Ltmp5:
0x112: {  	_ = 	snop;
	(pc) =	sbr.rel .LBB2_4-.Ltmp5, $4  }
0x113: {  	s20 =	simm.s32 $0xB400  }
0x114: {  	[tilespmem:s20], [sflag:$0x1] =	stream.indirect_vreg.gather [hbm4b:s5+s3], $0x80, v3, vm0, $0xb8;
	[tilespmem:$0x18400] =	vst v63  }
0x115: {  	s20 =	simm.s32 $0xBC00  }
0x116: {  	[tilespmem:s20], [sflag:$0x1] =	stream.indirect_vreg.gather [hbm4b:s6+s3], $0x80, v3, vm0, $0xb8;
	[tilespmem:$0x18400] =	vst v63  }
.LBB2_6:
0x117: {  	_ =	sfence.sel $0x180000  }
0x118: {  	[bflag:$0x0] =	sbarrier.arrive $0xFFFF  }
0x119: {  	_ =	strace $0x90000047  }
0x11a: {  	s0 =	stileid.u32;
	[bflag:$0x2] =	sbarrier.arrive $0xFFFF  }
0x11b: {  	p0 =	sne.s32 s0, $0x0;
	s0 =	rddreg [dreg:$0x3]  }
0x11c: {  	s0 =	sadd.s32 @!p0 $0x100000, s0  }
0x11d: {  	[sflag:s0] =	ssyncadd.tile.s32 @!p0 $0x1;
	_ =	shalt  }
.Lfunc_end2:
_tile_overlayer_lowered:
.L_overlay_start_2:
0x11e: {  	(tag) =	ssettag $0x2  }
0x11f: {  	s0 =	rddreg [dreg:$0x0];
	s2 =	stileid.u32  }
0x120: {  	s1 =	rddreg [dreg:$0x1];
	p0 =	sne.s32 s2, $0x0  }
0x121: {  	s3 =	rddreg [dreg:$0x2];
	[bflag:$0x3] =	sbarrier.arrive $0xFFFF;
	s2 =	simm.s32 @!p0 $0x1C03  }
0x122: {  	[timem:s3], [sflag:s2] =	dma.local @!p0 [hbm:s0], s1  }
0x123: {  	s0 =	simm.s32 @!p0 $0x3  }
0x124: {  	_ =	swait.ge @!p0 [sflag:s0], s1  }
0x125: {  	s1 =	ssub.s32 @!p0 $0x0, s1;
	[sflag:s0] =	ssyncset.done @!p0 $0x0  }
0x126: {  	[sflag:s0] =	ssyncadd.s32 @!p0 s1  }
0x127: {  	[bflag:$0x3] =	sbarrier.arrive $0xFFFF  }
0x128: {  	_ =	shalt  }

</sc_bundles>
